<compile_context>
chip_gen: v7x
topology: tpu7x:2x2x1
jax: 0.10.2.dev20260603
libtpu: 0.0.44.dev20260713+nightly
codegen_flags: <defaults>
</compile_context>

<pallas_src>
import jax
import jax.numpy as jnp
from jax.experimental import pallas as pl

BATCH = 32
SEQ_LEN = 8192
N_ALLELES = 4
D_MODEL = 64
XR = BATCH * SEQ_LEN * N_ALLELES // 128
OR_ = BATCH * SEQ_LEN * D_MODEL // (16 * 128)
PR = 65536 * D_MODEL // (16 * 128)
R_TILE = 256


def _body(x_ref, w_ref, p_ref, o_ref):
    xb = x_ref[...]
    x2 = jnp.broadcast_to(xb[:, None, :], (R_TILE, 16, 128))
    k = jax.lax.broadcasted_iota(jnp.int32, (16, 128), 0)
    c = jax.lax.broadcasted_iota(jnp.int32, (16, 128), 1)
    mask = (c // 8 == k).astype(jnp.float32)
    x2m = x2 * mask[None, :, :]
    emb = jax.lax.dot_general(
        x2m, w_ref[...],
        dimension_numbers=(((2,), (0,)), ((), ())),
        preferred_element_type=jnp.float32,
    )
    o_ref[...] = emb + p_ref[...]


def kernel(x, allele_embedding, position_table):
    xv = x.reshape(XR, 128)
    pv = position_table.reshape(PR, 16, 128)
    l = jnp.arange(128)
    base = jnp.tile(allele_embedding, (128 // N_ALLELES, 128 // D_MODEL))
    w = base * ((l[:, None] // N_ALLELES % 2) == (l[None, :] // D_MODEL))
    out = pl.pallas_call(
        _body,
        grid=(OR_ // R_TILE,),
        in_specs=[
            pl.BlockSpec((R_TILE, 128), lambda g: (g, 0)),
            pl.BlockSpec((128, 128), lambda g: (0, 0)),
            pl.BlockSpec((R_TILE, 16, 128), lambda g: (0, 0, 0)),
        ],
        out_specs=pl.BlockSpec((R_TILE, 16, 128), lambda g: (g, 0, 0)),
        out_shape=jax.ShapeDtypeStruct((OR_, 16, 128), jnp.float32),
    )(xv, w, pv)
    return out.reshape(BATCH, SEQ_LEN, D_MODEL)

# --- scband reference (transcript-rebuilt; emitter-appended) ---
"""Pipeline reference for scband-geno-embedding-17214228922850 (READ-ONLY COPY).

The authoritative reference and input builder live on the scoring server;
editing this copy changes nothing except your own understanding.
"""

import jax, jax.numpy as jnp
import numpy as np

N_ALLELES = 4
N_SNPS = 65536
D_MODEL = 64
BATCH = 32
SEQ_LEN = 8192

def setup_inputs(seed: int = 0) -> dict:
    key = jax.random.key(seed)
    k1, k2, k3 = jax.random.split(key, 3)
    x = jax.random.uniform(k1, (BATCH, SEQ_LEN, N_ALLELES), dtype=jnp.float32)
    # xavier_uniform init for allele_embedding: bound = sqrt(6/(fan_in+fan_out))
    bound = float(np.sqrt(6.0 / (N_ALLELES + D_MODEL)))
    allele_embedding = jax.random.uniform(k2, (N_ALLELES, D_MODEL), dtype=jnp.float32, minval=-bound, maxval=bound)
    position_table = jax.random.normal(k3, (N_SNPS, D_MODEL), dtype=jnp.float32)
    return {"x": x, "allele_embedding": allele_embedding, "position_table": position_table}

def reference(x, allele_embedding, position_table):
    seq_len = x.shape[1]
    embedded = jnp.einsum('bsn,nd->bsd', x, allele_embedding)
    positions = jnp.arange(seq_len)
    pos_emb = jnp.take(position_table, positions, axis=0)[None, :, :]
    return embedded + pos_emb

if __name__ == "__main__":
    import jax
    _d = setup_inputs()
    print(jax.jit(kernel)(*tuple(_d.values())))

</pallas_src>

<mosaic_0001>
module attributes {stable_mosaic.version = 14 : i64} {
  func.func @_body(%arg0: i32, %arg1: memref<256x128xf32, #tpu.memory_space<vmem>>, %arg2: memref<128x128xf32, #tpu.memory_space<vmem>>, %arg3: memref<256x16x128xf32, #tpu.memory_space<vmem>>, %arg4: memref<256x16x128xf32, #tpu.memory_space<vmem>>) attributes {dimension_semantics = [#tpu.dimension_semantics<arbitrary>], iteration_bounds = array<i64: 32>, scalar_prefetch = 0 : i64, scratch_operands = 0 : i64, tpu.core_type = #tpu.core_type<tc>, window_params = [{transform_indices = @transform_0, window_bounds = array<i64: 256, 128>}, {pipeline_mode = #tpu.pipeline_mode<synchronous>, transform_indices = @transform_1, window_bounds = array<i64: 128, 128>}, {transform_indices = @transform_2, window_bounds = array<i64: 256, 16, 128>}, {transform_indices = @transform_3, window_bounds = array<i64: 256, 16, 128>}]} {
    %get3A = arith.constant 0 : index
    %get3A_0 = arith.constant 0 : index
    %get3A_1 = vector.load %arg1[%get3A, %get3A_0] : memref<256x128xf32, #tpu.memory_space<vmem>>, vector<256x128xf32>
    %broadcast_in_dim3A = vector.shape_cast %get3A_1 : vector<256x128xf32> to vector<256x1x128xf32>
    %broadcast_in_dim3A_2 = vector.shape_cast %broadcast_in_dim3A : vector<256x1x128xf32> to vector<256x1x128xf32>
    %broadcast_in_dim3A_3 = vector.broadcast %broadcast_in_dim3A_2 : vector<256x1x128xf32> to vector<256x16x128xf32>
    %iota3A = tpu.iota {dimensions = array<i32: 0>} : vector<16x128xi32>
    %iota3A_4 = tpu.iota {dimensions = array<i32: 1>} : vector<16x128xi32>
    %jit3A = arith.constant 8 : i32
    %div3A = vector.broadcast %jit3A : i32 to vector<16x128xi32>
    %div3A_5 = arith.divsi %iota3A_4, %div3A : vector<16x128xi32>
    %sign3A = arith.constant 0 : i32
    %sign3A_6 = vector.broadcast %sign3A : i32 to vector<16x128xi32>
    %sign3A_7 = arith.cmpi sgt, %iota3A_4, %sign3A_6 : vector<16x128xi32>
    %sign3A_8 = arith.extui %sign3A_7 : vector<16x128xi1> to vector<16x128xi32>
    %sign3A_9 = arith.constant 0 : i32
    %sign3A_10 = vector.broadcast %sign3A_9 : i32 to vector<16x128xi32>
    %sign3A_11 = arith.cmpi slt, %iota3A_4, %sign3A_10 : vector<16x128xi32>
    %sign3A_12 = arith.extui %sign3A_11 : vector<16x128xi1> to vector<16x128xi32>
    %sign3A_13 = arith.subi %sign3A_8, %sign3A_12 : vector<16x128xi32>
    %sign3A_14 = arith.constant 0 : i32
    %sign3A_15 = arith.cmpi sgt, %jit3A, %sign3A_14 : i32
    %sign3A_16 = arith.extui %sign3A_15 : i1 to i32
    %sign3A_17 = arith.constant 0 : i32
    %sign3A_18 = arith.cmpi slt, %jit3A, %sign3A_17 : i32
    %sign3A_19 = arith.extui %sign3A_18 : i1 to i32
    %sign3A_20 = arith.subi %sign3A_16, %sign3A_19 : i32
    %ne3A = vector.broadcast %sign3A_20 : i32 to vector<16x128xi32>
    %ne3A_21 = arith.cmpi ne, %sign3A_13, %ne3A : vector<16x128xi32>
    %rem3A = vector.broadcast %jit3A : i32 to vector<16x128xi32>
    %rem3A_22 = arith.remsi %iota3A_4, %rem3A : vector<16x128xi32>
    %ne3A_23 = arith.constant 0 : i32
    %ne3A_24 = vector.broadcast %ne3A_23 : i32 to vector<16x128xi32>
    %ne3A_25 = arith.cmpi ne, %rem3A_22, %ne3A_24 : vector<16x128xi32>
    %and3A = arith.andi %ne3A_21, %ne3A_25 : vector<16x128xi1>
    %sub3A = arith.constant 1 : i32
    %sub3A_26 = vector.broadcast %sub3A : i32 to vector<16x128xi32>
    %sub3A_27 = arith.subi %div3A_5, %sub3A_26 : vector<16x128xi32>
    %select_n3A = arith.select %and3A, %sub3A_27, %div3A_5 : vector<16x128xi1>, vector<16x128xi32>
    %eq3A = arith.cmpi eq, %select_n3A, %iota3A : vector<16x128xi32>
    %convert_element_type3A = arith.extui %eq3A : vector<16x128xi1> to vector<16x128xi32>
    %convert_element_type3A_28 = arith.sitofp %convert_element_type3A : vector<16x128xi32> to vector<16x128xf32>
    %broadcast_in_dim3A_29 = vector.shape_cast %convert_element_type3A_28 : vector<16x128xf32> to vector<1x16x128xf32>
    %mul3A = vector.broadcast %broadcast_in_dim3A_29 : vector<1x16x128xf32> to vector<256x16x128xf32>
    %mul3A_30 = arith.mulf %broadcast_in_dim3A_3, %mul3A : vector<256x16x128xf32>
    %get3A_31 = arith.constant 0 : index
    %get3A_32 = arith.constant 0 : index
    %get3A_33 = vector.load %arg2[%get3A_31, %get3A_32] : memref<128x128xf32, #tpu.memory_space<vmem>>, vector<128x128xf32>
    %dot_general3A = arith.constant dense<0.000000e+00> : vector<256x16x128xf32>
    %dot_general3A_34 = tpu.matmul %mul3A_30, %get3A_33, %dot_general3A {dimension_numbers = #tpu.dot_dimension_numbers<[2], [0], [0, 1], [1], [0, 0, 0, 1, 1, 1], [], []>, transpose_lhs_hint = false} : vector<256x16x128xf32>, vector<128x128xf32>, vector<256x16x128xf32> -> vector<256x16x128xf32>
    %get3A_35 = arith.constant 0 : index
    %get3A_36 = arith.constant 0 : index
    %get3A_37 = arith.constant 0 : index
    %get3A_38 = vector.load %arg3[%get3A_35, %get3A_36, %get3A_37] : memref<256x16x128xf32, #tpu.memory_space<vmem>>, vector<256x16x128xf32>
    %add3A = arith.addf %dot_general3A_34, %get3A_38 : vector<256x16x128xf32>
    %swap3A = arith.constant 0 : index
    %swap3A_39 = arith.constant 0 : index
    %swap3A_40 = arith.constant 0 : index
    %swap3A_41 = vector.load %arg4[%swap3A, %swap3A_39, %swap3A_40] : memref<256x16x128xf32, #tpu.memory_space<vmem>>, vector<256x16x128xf32>
    tpu.vector_store %arg4[%swap3A, %swap3A_39, %swap3A_40], %add3A {strides = array<i32>} : memref<256x16x128xf32, #tpu.memory_space<vmem>>, vector<256x16x128xf32>,
    return
  }
  func.func @transform_0(%arg0: i32) -> (i32, i32) {
    %c0_i32 = arith.constant 0 : i32
    %c0_i32_0 = arith.constant 0 : i32
    return %arg0, %c0_i32 : i32, i32
  }
  func.func @transform_1(%arg0: i32) -> (i32, i32) {
    %c0_i32 = arith.constant 0 : i32
    %c0_i32_0 = arith.constant 0 : i32
    %c0_i32_1 = arith.constant 0 : i32
    return %c0_i32, %c0_i32_0 : i32, i32
  }
  func.func @transform_2(%arg0: i32) -> (i32, i32, i32) {
    %c0_i32 = arith.constant 0 : i32
    %c0_i32_0 = arith.constant 0 : i32
    %c0_i32_1 = arith.constant 0 : i32
    %c0_i32_2 = arith.constant 0 : i32
    return %c0_i32, %c0_i32_0, %c0_i32_1 : i32, i32, i32
  }
  func.func @transform_3(%arg0: i32) -> (i32, i32, i32) {
    %c0_i32 = arith.constant 0 : i32
    %c0_i32_0 = arith.constant 0 : i32
    %c0_i32_1 = arith.constant 0 : i32
    return %arg0, %c0_i32, %c0_i32_0 : i32, i32, i32
  }
}

</mosaic_0001>

<sc_bundles>
// kernel: sparse-core-data-format-call.cloned.1.call-start
scs
called_computation_lowered:
.L_overlay_start_0:
0x0: {  	s2 =	sld [smem:$0x3FD9]  }
0x1: {  	s3 =	sld [smem:$0x3FFE];
	_ =	sdelay $0x1  }
0x2: {  	s1 =	srdreg.scid  }
0x3: {  	s0 =	sand.u32 $0x1, s1  }
0x4: {  	s18 =	sshll.u32 s0, $0xA;
	s2 =	sadd.s32 s3, s2  }
0x5: {  	s2 =	sadd.s32 s2, s18  }
0x6: {  	[smem:$0x3FC5] =	sst s2  }
0x7: {  	_ = 	snop  }
0x8: {  	s2 =	sld [smem:$0x3FD0];
	(tm) =	ssettm $0x1  }
0x9: {  	s19 =	sld [smem:$0x3FFB];
	_ =	sdelay $0x3  }
0xa: {  	_ =	strace s19  }
0xb: {  	s3 =	sld [smem:$0x3FFC];
	_ =	sdelay $0x3  }
0xc: {  	_ =	strace s3  }
0xd: {  	s3 =	sld [smem:$0x3FFD];
	_ =	sdelay $0x3  }
0xe: {  	_ =	strace s3  }
0xf: {  	_ =	strace $0x8FFFFFFF  }
0x10: {  	s20 =	sld [smem:$0x3FDB];
	_ =	sdelay $0x1  }
0x11: {  	s4 =	simm.s32 $_scs_section_size  }
0x12: {  	s5 =	simm.s32 $_size__tile_overlayer_lowered;
	s6 =	simm.s32 $_tile_overlayer_lowered  }
0x13: {  	s23 =	simm.s32 $0x1BFF;
	s22 =	sshll.u32 s6, $0x1;
	s3 =	sadd.s32 s4, s20  }
0x14: {  	s7 =	simm.s32 $0x0;
	s21 =	sshll.u32 s5, $0x1;
	s5 =	sadd.s32 s22, s3  }
0x15: {  	[timem:s7], [sflag:s23] =	dma.local [hbm:s5], s21  }
0x16: {  	_ =	swait.ge [sflag:s23], s21  }
0x17: {  	s4 =	ssub.s32 $0x0, s21;
	[sflag:s23] =	ssyncset.done $0x0  }
0x18: {  	[sflag:s23] =	ssyncadd.s32 s4;
	_ =	sdelay $0x1  }
0x19: {  	s24 =	simm.s32 $0x1B8B  }
0x1a: {  	_ =	swait.ge [sflag:s24], $0x1  }
0x1b: {  	[sflag:s24] =	ssyncset.done $0x0  }
0x1c: {  	s26 =	simm.s32 $0x1B8E;
	s25 =	sld [smem:$0x3FFE];
	[sflag:s24] =	ssyncadd.s32 $0xFFFFFFFF  }
0x1d: {  	s27 =	simm.s32 $execute0_lowered;
	[smem:$0x3FD2] =	sst s26  }
0x1e: {  	s5 =	sshll.u32 s27, $0x1;
	_ =	strace $0x80000046;
	[dreg:$0x1] =	wrdreg $0xFFFFFFFF  }
0x1f: {  	s28 =	simm.s32 $_size_execute0_lowered;
	s3 =	sadd.s32 s3, s5;
	[dreg:$0x0] =	wrdreg $0x0  }
0x20: {  	s5 =	sshll.u32 s28, $0x1;
	[dreg:$0x2] =	wrdreg s3  }
0x21: {  	[dreg:$0x3] =	wrdreg s5  }
0x22: {  	[dreg:$0x4] =	wrdreg $0xC0  }
0x23: {  	_ =	task [dreg:s7], $0x5FFFF  }
0x24: {  	[dreg:$0x1] =	wrdreg $0xFFFFFFFF  }
0x25: {  	[dreg:$0x0] =	wrdreg $0x60  }
0x26: {  	[dreg:$0x2] =	wrdreg s25  }
0x27: {  	[dreg:$0x3] =	wrdreg s2  }
0x28: {  	[dreg:$0x4] =	wrdreg $0x9  }
0x29: {  	_ =	task.clear_ibuf [dreg:s7], $0x5FFFF;
	_ =	strace $0x90000046  }
0x2a: {  	s29 =	simm.s32 $0x9;
	_ =	strace $0x80000048  }
0x2b: {  	_ =	swait.ge [sflag:s29], $0x1  }
0x2c: {  	[sflag:s29] =	ssyncadd.s32 $0xFFFFFFFF  }
0x2d: {  	_ =	strace $0x90000048  }
0x2e: {  	_ =	sfence  }
0x2f: {  	s30 =	sld [smem:$0x0];
	_ =	sdelay $0x2  }
0x30: {  	s31 =	sshll.u32 s1, $0xD;
	s1 =	sshrl.u32 s1, $0x2  }
0x31: {  	s3 =	sand.u32 $0x4000, s31;
	s1 =	sadd.s32 s1, s30  }
0x32: {  	s0 =	sor.u32 s3, s0;
	s1 =	sshll.u32 s1, $0x11  }
0x33: {  	s0 =	sor.u32 s1, s0  }
0x34: {  	s0 =	sadd.s32 $0x8F2B, s0  }
0x35: {  	[sflag:s0] =	ssyncadd.remote.s32 $0x1  }
0x36: {  	_ =	sfence.sel $0xFFFF  }
0x37: {  	[dreg:$0x0] =	wrdreg $0xFFFFFFFF;
	(pc) =	sbr.abs _section_cstart, $3  }
0x38: {  	[dreg:$0x1] =	wrdreg $0xFFFFFFFF  }
0x39: {  	_ =	task.clear_ibuf [dreg:s7], $0x2FFFF;
	_ =	strace $0x9FFFFFFF  }
0x3a: {  	(tm) =	ssettm $0x7FFFFFFF  }
0x3b: {  	_ =	shalt  }
tec
execute0_lowered:
.L_overlay_start_1:
0x0: {  	(tag) =	ssettag $0x1  }
0x1: {  	s8 =	rddreg [dreg:$0x0]  }
0x2: {  	s2 =	rddreg [dreg:$0x1]  }
0x3: {  	s1 =	stileid.u32;
	s4 =	srdreg.scid  }
0x4: {  	s0 =	rddreg [dreg:$0x2];
	_ =	strace $0x80000047;
	s9 =	simm.s32 $0x1  }
0x5: {  	s31 =	simm.s32 $0x2;
	s14 =	simm.s32 $0x0;
	s15 =	simm.s32 $0x0  }
0x6: {  	s13 =	simm.s32 $0x0;
	s3 =	sshll.u32 s1, $0x1;
	s4 =	sshll.u32 s4, $0x7  }
0x7: {  	s4 =	sand.u32 $0x80, s4;
	s5 =	ssub.s32 $0x20, s3;
	s12 =	smov.u32 s3  }
0x8: {  	s6 =	sshrl.u32 s5, $0x5;
	s5 =	sand.u32 $0x1E, s5;
	s7 =	ssub.s32 $0x2000, s4  }
0x9: {  	p0 =	sne.s32 s5, $0x0;
	s30 =	sshrl.u32 s7, $0x7;
	s7 =	sshrl.u32 s7, $0x8  }
.Ltmp0:
0xa: {  	s9 =	simm.s32 @!p0 $0x0;
	s10 =	sand.u32 $0x1, s30;
	(pc) =	sbr.rel .LBB1_1-.Ltmp0, $4  }
0xb: {  	s5 =	simm.s32 $0x1;
	s6 =	sadd.s32 s9, s6;
	s7 =	sadd.s32 s7, s10  }
0xc: {  	s11 =	smov.u32 s4;
	[sflag:s5] =	ssyncpa.u1 $0x0;
	s6 =	smul.u32 s6, s7  }
0xd: {  	p0 =	por $0x0, $0x0;
	[sflag:s31] =	ssyncpa.u1 $0x0;
	s10 =	simm.s32 $0x10000  }
0xe: {  	s7 =	sadd.s32 $0x800, s8;
	s8 =	sadd.s32 $0x20800, s8;
	s9 =	sadd.s32 $0x1, s6  }
.LBB1_7:
0xf: {  	s16 =	sadd.s32 $0x100, s11  }
0x10: {  	s14 =	sadd.s32 $0x20, s12;
	s18 =	smov.u32 s12;
	p2 =	sgt.s32 s16, $0x1FFF  }
0x11: {  	s18 =	smov.u32 @p2 s14  }
0x12: {  	s16 =	smov.u32 @p2 s4;
	p2 =	sgt.s32 s18, $0x1F  }
0x13: {  	s18 =	smov.u32 @p2 s3;
	p2 =	sne.s32 s13, s9  }
.Ltmp1:
0x14: {  	p1 =	slt.u32 s13, $0x2;
	(pc) =	sbr.rel @!p2 .LBB1_8-.Ltmp1, $4  }
0x15: {  	s17 =	simm.s32 @!p1 $0x2  }
0x16: {  	s15 =	smov.u32 s12;
	p0 =	por !p0, !p0;
	_ =	swait.ge @!p1 [sflag:s17], $0x4000  }
0x17: {  	s14 =	smov.u32 s11;
	[sflag:s17] =	ssyncset.done @!p1 $0x0;
	s11 =	smov.u32 s16  }
0x18: {  	s13 =	sadd.s32 $0x1, s13;
	[sflag:s17] =	ssyncadd.s32 @!p1 $0xFFFFC000;
	s12 =	smov.u32 s18  }
.LBB1_1:
0x19: {  	p1 =	sge.u32 s13, s6  }
0x1a: {  	s16 =	sxor.u32 @!p1 $0xFFFFFFFF, s13;
	s17 =	sshll.u32 @!p1 s12, $0x11  }
0x1b: {  	s18 =	sshll.u32 @!p1 s11, $0x4;
	s20 =	simm.s32 @!p1 $0x40;
	s21 =	simm.s32 @!p1 $0x80  }
0x1c: {  	s16 =	sshll.u32 @!p1 s16, $0xE;
	s18 =	sand.u32 @!p1 $0x1FFF0, s18;
	s19 =	sadd.s32 @!p1 s7, s17  }
0x1d: {  	s17 =	sadd.s32 @!p1 s17, s8;
	s16 =	sand.u32 @!p1 $0x4000, s16;
	s19 =	sadd.s32 @!p1 s18, s19  }
0x1e: {  	[tilespmem:s16], [sflag:$0x1] =	stream.strided.gather @!p1 [hbm4b:s19+s20], $0x2000, s21, s20, $0x38;
	[tilespmem:$0x10100] =	vst v63  }
0x1f: {  	s31 =	sadd.s32 $0xFFFFFFFF, s13;
	s17 =	sadd.s32 @!p1 s18, s17;
	s16 =	sor.u32 @!p1 $0x2000, s16  }
0x20: {  	[tilespmem:s16], [sflag:$0x1] =	stream.strided.gather @!p1 [hbm4b:s17+s20], $0x2000, s21, s20, $0x38;
	[tilespmem:$0x10100] =	vst v63  }
0x21: {  	p1 =	sge.u32 s31, s6  }
.Ltmp2:
0x22: {  	_ = 	snop;
	(pc) =	sbr.rel @p1 .LBB1_7-.Ltmp2, $1  }
0x23: {  	_ =	sdelay $0x3  }
0x24: {  	s16 =	simm.s32 $0x1;
	s18 =	sand.u32 $0x1, s13  }
0x25: {  	_ =	swait.ge [sflag:s5], $0x4000;
	s16 =	simm.s32 @!p0 $0x0;
	s18 =	smul.u32 $0x10200, s18  }
0x26: {  	p2 =	por $0x1, $0x1;
	[sflag:s5] =	ssyncset.done $0x0;
	s17 =	smul.u32 $0x10200, s16  }
0x27: {  	s19 =	sshll.u32 s16, $0x10;
	[sflag:s5] =	ssyncadd.s32 $0xFFFFC000;
	s30 =	sshrl.u32 s18, $0x2  }
0x28: {  	s31 =	sshrl.u32 s19, $0x2;
	s19 =	simm.s32 $0x0;
	s17 =	sshrl.u32 s17, $0x2  }
0x29: {  	s16 =	sor.u32 $0x8000, s30;
	s18 =	sadd.s32 $0x20, s31;
	s17 =	sor.u32 $0x8000, s17  }
.LBB1_3:
0x2a: {  	s20 =	sshll.u32 s19, $0xD  }
0x2b: {  	s20 =	sand.u32 $0x3FFFE000, s20  }
0x2c: {  	s22 =	sadd.s32 s20, s18  }
0x2d: {  	s31 =	smul.u32 $0x8100, s19;
	v3 =	vld [tilespmem:s22+$0x10]  }
0x2e: {  	v1 =	vld [tilespmem:s22+$0xFFFFFFF0]  }
0x2f: {  	s19 =	sshra.s32 s31, $0x2;
	v0 =	vld [tilespmem:s22+$0x0]  }
0x30: {  	s19 =	sadd.s32 s19, s17;
	v2 =	vld [tilespmem:s22+$0xFFFFFFE0]  }
0x31: {  	s20 =	sadd.s32 $0x0, s19  }
0x32: {  	p1 =	por p2, p2;
	s21 =	simm.s32 $0x4;
	s22 =	sadd.s32 $0x40, s22;
	[tilespmem:s20+$0x1830 ss:$0x81] =	vst.msk $0xffff, v3  }
.LBB1_4:
0x33: {  	v3 =	vld [tilespmem:s22+$0x10];
	p2 =	sne.s32 s21, $0x1FC;
	[tilespmem:s20+$0x810 ss:$0x81] =	vst.msk $0xffff, v1;
	s23 =	smov.u32 s21;
	s21 =	sadd.s32 $0x4, s21  }
.Ltmp3:
0x34: {  	v1 =	vld [tilespmem:s22+$0xFFFFFFF0];
	[tilespmem:s20+$0x1020 ss:$0x81] =	vst.msk $0xffff, v0;
	(pc) =	sbr.rel @p2 .LBB1_4-.Ltmp3, $4  }
0x35: {  	v0 =	vld [tilespmem:s22+$0x0];
	[tilespmem:s20+$0x0 ss:$0x81] =	vst.msk $0xffff, v2  }
0x36: {  	s20 =	sshra.s32 s23, $0x2;
	v2 =	vld [tilespmem:s22+$0xFFFFFFE0]  }
0x37: {  	s20 =	sadd.s32 s20, s19  }
0x38: {  	s22 =	sadd.s32 $0x40, s22;
	[tilespmem:s20+$0x1830 ss:$0x81] =	vst.msk $0xffff, v3  }
.Ltmp4:
0x39: {  	(pc) =	sbr.rel @p1 .LBB1_3-.Ltmp4, $4  }
0x3a: {  	_ = 	snop  }
0x3b: {  	[tilespmem:s20+$0x810 ss:$0x81] =	vst.msk $0xffff, v1  }
0x3c: {  	[tilespmem:s20+$0x1020 ss:$0x81] =	vst.msk $0xffff, v0  }
0x3d: {  	s19 =	simm.s32 $0x1;
	p2 =	por $0x0, $0x0;
	[tilespmem:s20+$0x0 ss:$0x81] =	vst.msk $0xffff, v2  }
0x3e: {  	s17 =	sshll.u32 s14, $0x3;
	s18 =	sand.u32 $0x78, s14;
	s15 =	sshll.u32 s15, $0x10  }
.Ltmp5:
0x3f: {  	s30 =	sand.u32 $0xFC00, s14;
	s17 =	sand.u32 $0x1C00, s17;
	(pc) =	sbr.rel .LBB1_7-.Ltmp5, $4  }
0x40: {  	s31 =	sand.u32 $0x7, s14;
	s15 =	sadd.s32 s2, s15;
	s17 =	sor.u32 s18, s17  }
0x41: {  	s14 =	sshll.u32 s31, $0x12;
	s15 =	sadd.s32 s30, s15;
	s17 =	sshrl.u32 s17, $0x3  }
0x42: {  	s14 =	sor.u32 $0x400, s14;
	s15 =	sadd.s32 s17, s15  }
0x43: {  	[hbm4b:s15+s14] =	stream.strided.scatter [tilespmem:s16], [sflag:$0x2], $0x4000, s10, s14, $0x20;
	[tilespmem:$0x10100] =	vst v63  }
.LBB1_8:
0x44: {  	_ =	sfence.sel $0x180000  }
0x45: {  	s2 =	simm.s32 $0x1;
	[bflag:$0x0] =	sbarrier.arrive $0xFFFF  }
0x46: {  	s31 =	simm.s32 $0x2;
	[sflag:s2] =	ssyncpa.u1 $0x1  }
0x47: {  	[sflag:s31] =	ssyncpa.u1 $0x1  }
0x48: {  	p0 =	sne.s32 s1, $0x0;
	_ =	strace $0x90000047  }
0x49: {  	s0 =	sadd.s32 @!p0 $0x100000, s0;
	[bflag:$0x2] =	sbarrier.arrive $0xFFFF  }
0x4a: {  	[sflag:s0] =	ssyncadd.tile.s32 @!p0 $0x1;
	_ =	shalt  }
.Lfunc_end1:
_tile_overlayer_lowered:
.L_overlay_start_2:
0x4b: {  	(tag) =	ssettag $0x2  }
0x4c: {  	s0 =	rddreg [dreg:$0x0];
	s2 =	stileid.u32  }
0x4d: {  	s1 =	rddreg [dreg:$0x1];
	p0 =	sne.s32 s2, $0x0  }
0x4e: {  	s3 =	rddreg [dreg:$0x2];
	[bflag:$0x3] =	sbarrier.arrive $0xFFFF;
	s2 =	simm.s32 @!p0 $0x1C01  }
0x4f: {  	[timem:s3], [sflag:s2] =	dma.local @!p0 [hbm:s0], s1  }
0x50: {  	s0 =	simm.s32 @!p0 $0x1  }
0x51: {  	_ =	swait.ge @!p0 [sflag:s0], s1  }
0x52: {  	s1 =	ssub.s32 @!p0 $0x0, s1;
	[sflag:s0] =	ssyncset.done @!p0 $0x0  }
0x53: {  	[sflag:s0] =	ssyncadd.s32 @!p0 s1  }
0x54: {  	[bflag:$0x3] =	sbarrier.arrive $0xFFFF  }
0x55: {  	_ =	shalt  }

</sc_bundles>
